<compile_context>
chip_gen: v7x
topology: tpu7x:2x2x1
jax: 0.10.2.dev20260603
libtpu: 0.0.44.dev20260713+nightly
codegen_flags: <defaults>
</compile_context>

<pallas_src>
import dataclasses
import functools

import jax
import jax.numpy as jnp
from jax import lax
from jax.experimental import pallas as pl
from jax.experimental.pallas import tpu as pltpu
from jax.experimental.pallas import tpu_sc as plsc

N = 10000
E = 160000
D = 256
H = 32
NT = 16
TROWS = 625
NC, NS = 2, 16
NW = NC * NS

RPT = 632
N_ACC = NS * RPT
DUMMY_DST = N_ACC - 1
EPT = 10240
E_PAD = NS * EPT
CHUNKS = EPT // 128
MBUF = 4
NRING = 2 * MBUF

DEG_EPT = 5008
N_HIST = 10240

RB = 2000
NBLK = N // RB

def _mesh():
    return plsc.VectorSubcoreMesh(core_axis_name="c", subcore_axis_name="s")


_sc_cp = pltpu.CompilerParams()
if "needs_layout_passes" in pltpu.CompilerParams.__dataclass_fields__:
    _sc_cp = dataclasses.replace(_sc_cp, needs_layout_passes=False)
_sc_cp_untiled = _sc_cp
if "use_tc_tiling_on_sc" in pltpu.CompilerParams.__dataclass_fields__:
    _sc_cp_untiled = dataclasses.replace(_sc_cp, use_tc_tiling_on_sc=False)


@jax.jit
def _sc_degree(dst_pad):

    @functools.partial(
        pl.kernel,
        out_type=jax.ShapeDtypeStruct((NW, N_HIST), jnp.float32),
        mesh=_mesh(),
        compiler_params=_sc_cp,
        scratch_types=[
            pltpu.VMEM((DEG_EPT,), jnp.int32),
            pltpu.VMEM((N_HIST,), jnp.float32),
        ],
    )
    def k(dst_hbm, out_hbm, idx_v, hist_v):
        wid = lax.axis_index("s") * NC + lax.axis_index("c")

        @pl.loop(0, N_HIST, step=16)
        def _(i):
            hist_v[pl.ds(i, 16)] = jnp.zeros((16,), jnp.float32)

        pltpu.sync_copy(dst_hbm.at[wid], idx_v)
        ones = jnp.ones((16,), jnp.float32)

        @pl.loop(0, DEG_EPT, step=16)
        def _(i):
            ids = idx_v[pl.ds(i, 16)]
            plsc.addupdate_scatter(hist_v, [ids], ones)

        pltpu.sync_copy(hist_v, out_hbm.at[wid])

    return k(dst_pad)


@jax.jit
def _sc_aggregate(src_flat, dst4, ytab, zeros_acc):

    @functools.partial(
        pl.kernel,
        out_type=jax.ShapeDtypeStruct((N_ACC, NT * H), jnp.float32),
        mesh=_mesh(),
        compiler_params=_sc_cp_untiled,
        scratch_types=[
            pltpu.VMEM((EPT,), jnp.int32),
            pltpu.VMEM((CHUNKS, 128), jnp.int32),
            pltpu.VMEM((NRING * 128, H), jnp.float32),
            pltpu.VMEM_SHARED((N, H), jnp.float32),
            pltpu.VMEM_SHARED((N, H), jnp.float32),
            pltpu.VMEM_SHARED((N_ACC, H), jnp.float32),
        ] + [pltpu.SemaphoreType.DMA] * (2 * NRING + 2),
    )
    def k(src_hbm, dst_hbm, ytab_hbm, zeros_hbm, out_hbm,
          src_v, dst_v, rows_v, tab_a, tab_b, acc, *sems):
        gsem = sems[:NRING]
        ssem = sems[NRING:2 * NRING]
        stsem = sems[2 * NRING:]
        tabs = [tab_a, tab_b]
        cid = lax.axis_index("c")
        sid = lax.axis_index("s")
        row0 = sid * RPT
        trow0 = sid * TROWS

        pltpu.sync_copy(src_hbm.at[sid], src_v)
        pltpu.sync_copy(dst_hbm.at[sid], dst_v)

        def gdesc(tab, c, k):
            return pltpu.make_async_copy(
                tab.at[src_v.at[pl.ds(c * 128, 128)]],
                rows_v.at[pl.ds(k * 128, 128)], gsem[k])

        def sdesc(c, k):
            return pltpu.make_async_copy(
                rows_v.at[pl.ds(k * 128, 128)],
                acc.at[dst_v.at[c]], ssem[k])

        def stdesc(t, b):
            return pltpu.make_async_copy(
                ytab_hbm.at[pl.ds(trow0, TROWS), pl.ds(t * H, H)],
                tabs[b].at[pl.ds(trow0, TROWS)], stsem[b])

        npass = NT // NC
        stdesc((npass) * cid + 0, 0).start()

        for p in range(npass):
            t = npass * cid + p
            b = p % 2
            tab = tabs[b]
            stdesc(t, b).wait()
            if p + 1 < npass:
                stdesc(t + 1, 1 - b).start()
            pltpu.sync_copy(zeros_hbm.at[pl.ds(row0, RPT)],
                            acc.at[pl.ds(row0, RPT)])
            plsc.subcore_barrier()
            for k0 in range(MBUF):
                gdesc(tab, k0, k0).start()

            @pl.loop(0, CHUNKS, step=NRING)
            def _(g):
                for k in range(NRING):
                    c = g + k
                    gdesc(tab, c, k).wait()
                    pltpu.async_copy(rows_v.at[pl.ds(k * 128, 128)],
                                     acc.at[dst_v.at[c]], ssem[k],
                                     add=True)
                    kn = (k + MBUF) % NRING

                    @pl.when(c + MBUF < CHUNKS)
                    def _():
                        @pl.when(c >= MBUF)
                        def _():
                            sdesc(c - MBUF, kn).wait()
                        gdesc(tab, c + MBUF, kn).start()

            for j in range(NRING):
                sdesc(CHUNKS - NRING + j, j).wait()
            plsc.subcore_barrier()
            pltpu.sync_copy(acc.at[pl.ds(row0, RPT)],
                            out_hbm.at[pl.ds(row0, RPT), pl.ds(t * H, H)])

    return k(src_flat, dst4, ytab, zeros_acc)


def _mm_body(x_ref, w_ref, o_ref):
    o_ref[...] = jnp.dot(x_ref[...], w_ref[...],
                         preferred_element_type=jnp.float32,
                         precision=lax.Precision.HIGHEST)


def _matmul(x, w):
    return pl.pallas_call(
        _mm_body,
        grid=(NBLK,),
        in_specs=[pl.BlockSpec((RB, D), lambda i: (i, 0)),
                  pl.BlockSpec((D, D), lambda i: (0, 0))],
        out_specs=pl.BlockSpec((RB, D), lambda i: (i, 0)),
        out_shape=jax.ShapeDtypeStruct((N, D), jnp.float32),
    )(x, w)


def _degrees_body(part_ref, dis_ref):
    deg = 1.0 + jnp.sum(part_ref[...], axis=0, keepdims=True)
    dis_ref[...] = jnp.transpose(lax.rsqrt(deg))


def _degrees(partials):
    return pl.pallas_call(
        _degrees_body,
        in_specs=[pl.BlockSpec((NW, N_HIST), lambda: (0, 0))],
        out_specs=pl.BlockSpec((N_HIST, 1), lambda: (0, 0)),
        out_shape=jax.ShapeDtypeStruct((N_HIST, 1), jnp.float32),
    )(partials)


def _tables_body(xw1_ref, xw2_ref, dis_ref, y_ref):
    dis = dis_ref[...]
    y1 = xw1_ref[...] * dis
    y2 = xw2_ref[...] * dis
    y_ref[...] = jnp.concatenate([y1, y2], axis=1)


def _tables(xw1, xw2, dis_t):
    return pl.pallas_call(
        _tables_body,
        grid=(NBLK,),
        in_specs=[pl.BlockSpec((RB, D), lambda i: (i, 0)),
                  pl.BlockSpec((RB, D), lambda i: (i, 0)),
                  pl.BlockSpec((RB, 1), lambda i: (i, 0))],
        out_specs=pl.BlockSpec((RB, 2 * D), lambda i: (i, 0)),
        out_shape=jax.ShapeDtypeStruct((N, 2 * D), jnp.float32),
    )(xw1, xw2, dis_t)


def _hidden_body(agg_ref, y_ref, dis_ref, b_ref, a_ref, h_ref, sum_ref):
    i = pl.program_id(0)
    dis = dis_ref[...]
    b = b_ref[0]
    a = a_ref[0, 0]
    t1 = (agg_ref[:, :D] + y_ref[:, :D]) * dis + b
    t2 = (agg_ref[:, D:] + y_ref[:, D:]) * dis + b
    h1 = jnp.where(t1 >= 0, t1, a * t1)
    h2 = jnp.where(t2 >= 0, t2, a * t2)
    h_ref[...] = jnp.stack([h1, h2], 0)
    part = jnp.sum(h1, axis=0, keepdims=True)

    @pl.when(i == 0)
    def _():
        sum_ref[...] = part

    @pl.when(i > 0)
    def _():
        sum_ref[...] += part


def _hidden(agg, y, dis_t, b2, a2):
    return pl.pallas_call(
        _hidden_body,
        grid=(NBLK,),
        in_specs=[pl.BlockSpec((RB, 2 * D), lambda i: (i, 0)),
                  pl.BlockSpec((RB, 2 * D), lambda i: (i, 0)),
                  pl.BlockSpec((RB, 1), lambda i: (i, 0)),
                  pl.BlockSpec((1, D), lambda i: (0, 0)),
                  pl.BlockSpec((1, 1), lambda i: (0, 0))],
        out_specs=[pl.BlockSpec((2, RB, D), lambda i: (0, i, 0)),
                   pl.BlockSpec((1, D), lambda i: (0, 0))],
        out_shape=[jax.ShapeDtypeStruct((2, N, D), jnp.float32),
                   jax.ShapeDtypeStruct((1, D), jnp.float32)],
    )(agg, y, dis_t, b2, a2)


def _score_body(h_ref, sum_ref, bw_ref, bb_ref, o_ref):
    s = jax.nn.sigmoid(sum_ref[...] * (1.0 / N))
    v = jnp.dot(bw_ref[...], jnp.transpose(s),
                preferred_element_type=jnp.float32,
                precision=lax.Precision.HIGHEST)
    o_ref[...] = jnp.dot(h_ref[...], v,
                         preferred_element_type=jnp.float32,
                         precision=lax.Precision.HIGHEST) + bb_ref[0, 0]


def _score(h, sum_h1, bil_W, bb2):
    return pl.pallas_call(
        _score_body,
        grid=(2 * NBLK,),
        in_specs=[pl.BlockSpec((RB, D), lambda i: (i, 0)),
                  pl.BlockSpec((1, D), lambda i: (0, 0)),
                  pl.BlockSpec((D, D), lambda i: (0, 0)),
                  pl.BlockSpec((1, 1), lambda i: (0, 0))],
        out_specs=pl.BlockSpec((RB, 1), lambda i: (i, 0)),
        out_shape=jax.ShapeDtypeStruct((2 * N, 1), jnp.float32),
    )(h, sum_h1, bil_W, bb2)


def kernel(seq1, seq2, edge_index, W, b, prelu_a, bil_W, bil_b):
    src = edge_index[0]
    dst = edge_index[1]

    dst_deg = jnp.concatenate(
        [dst.reshape(NW, E // NW),
         jnp.full((NW, DEG_EPT - E // NW), N, jnp.int32)], axis=1)
    src_pad = jnp.concatenate([src, jnp.zeros((E_PAD - E,), jnp.int32)])
    dst_pad = jnp.concatenate(
        [dst, jnp.full((E_PAD - E,), DUMMY_DST, jnp.int32)])
    src_flat = src_pad.reshape(NS, EPT)
    dst4 = dst_pad.reshape(NS, CHUNKS, 128)
    zeros_acc = jnp.zeros((N_ACC, H), jnp.float32)

    partials = _sc_degree(dst_deg)
    xw1 = _matmul(seq1, W)
    xw2 = _matmul(seq2, W)
    dis_t = _degrees(partials)
    y = _tables(xw1, xw2, dis_t)
    agg = _sc_aggregate(src_flat, dst4, y, zeros_acc)
    b2 = b.reshape(1, D)
    a2 = prelu_a.reshape(1, 1)
    h, sum_h1 = _hidden(agg, y, dis_t, b2, a2)
    bb2 = bil_b.reshape(1, 1)
    sc = _score(h.reshape(2 * N, D), sum_h1, bil_W, bb2)
    return sc.reshape(2 * N)

# --- scband reference (transcript-rebuilt; emitter-appended) ---
"""Pipeline reference for scband-dgi-48163763257696 (READ-ONLY COPY).

The authoritative reference and input builder live on the scoring server;
editing this copy changes nothing except your own understanding.
"""

import jax, jax.numpy as jnp
import numpy as np

N = 10000
E = 160000
D_IN = 256
D_H = 256


def setup_inputs(seed: int = 0):
    key = jax.random.key(seed)
    k1, k2, k3, k4, k5 = jax.random.split(key, 5)
    seq1 = jax.random.normal(k1, (N, D_IN), dtype=jnp.float32)
    seq2 = jax.random.normal(k2, (N, D_IN), dtype=jnp.float32)
    edge_index = jax.random.randint(k3, (2, E), 0, N, dtype=jnp.int32)
    W = jax.random.normal(k4, (D_IN, D_H), dtype=jnp.float32) * (1.0 / np.sqrt(D_IN))
    b = jnp.zeros((D_H,), dtype=jnp.float32)
    prelu_a = jnp.asarray(0.25, dtype=jnp.float32)
    bil_W = jax.random.normal(k5, (D_H, D_H), dtype=jnp.float32) * (1.0 / np.sqrt(D_H))
    bil_b = jnp.zeros((), dtype=jnp.float32)
    return {"seq1": seq1, "seq2": seq2, "edge_index": edge_index, "W": W, "b": b, "prelu_a": prelu_a, "bil_W": bil_W, "bil_b": bil_b}


def gcn_conv(x, edge_index, W, b):
    # PyG GCNConv: linear, add self-loops, symmetric normalization, sum-aggregate to dst
    n = x.shape[0]
    loop = jnp.arange(n, dtype=edge_index.dtype)
    src = jnp.concatenate([edge_index[0], loop])
    dst = jnp.concatenate([edge_index[1], loop])
    deg = jnp.zeros((n,), dtype=x.dtype).at[dst].add(1.0)
    deg_inv_sqrt = jnp.where(deg > 0, deg ** -0.5, 0.0)
    norm = deg_inv_sqrt[src] * deg_inv_sqrt[dst]
    xw = x @ W
    msg = xw[src] * norm[:, None]
    out = jnp.zeros((n, xw.shape[1]), dtype=x.dtype).at[dst].add(msg)
    return out + b


def prelu(x, a):
    return jnp.where(x >= 0, x, a * x)


def reference(seq1, seq2, edge_index, W, b, prelu_a, bil_W, bil_b):
    h1 = prelu(gcn_conv(seq1, edge_index, W, b), prelu_a)
    s = jax.nn.sigmoid(jnp.mean(h1, axis=0))  # AvgReadout + sigmoid
    h2 = prelu(gcn_conv(seq2, edge_index, W, b), prelu_a)
    # Bilinear discriminator: sc_i = h_i^T M c + bias, c broadcast over nodes
    sc1 = (h1 @ bil_W) @ s + bil_b
    sc2 = (h2 @ bil_W) @ s + bil_b
    return jnp.concatenate([sc1, sc2])

if __name__ == "__main__":
    import jax
    _d = setup_inputs()
    print(jax.jit(kernel)(*tuple(_d.values())))

</pallas_src>

<mosaic_0001>
#map = affine_map<(d0, d1) -> (0, 0)>
module attributes {stable_mosaic.version = 14 : i64} {
  func.func @k(%arg0: i32, %arg1: i32, %arg2: memref<32x5008xi32, #tpu.memory_space<hbm>>, %arg3: memref<32x10240xf32, #tpu.memory_space<hbm>>, %arg4: memref<5008xi32, #tpu.memory_space<vmem>>, %arg5: memref<10240xf32, #tpu.memory_space<vmem>>) attributes {dimension_semantics = [#tpu.dimension_semantics<core_parallel>, #tpu.dimension_semantics<subcore_parallel>], iteration_bounds = array<i64: 2, 16>, scalar_prefetch = 0 : i64, scratch_operands = 2 : i64, tpu.core_type = #tpu.core_type<sc_vector_subcore>, window_params = [{transform_indices = #map}, {transform_indices = #map}]} {
    %mul3A = arith.constant 2 : i32
    %mul3A_0 = arith.muli %arg1, %mul3A : i32
    %add3A = arith.addi %mul3A_0, %arg0 : i32
    %scan3A = arith.constant 0 : i32
    %scan3A_1 = arith.constant 640 : i32
    %scan3A_2 = arith.addi %scan3A, %scan3A_1 : i32
    %scan3A_3 = arith.constant 1 : i32
    scf.for %scan3A_11 = %scan3A to %scan3A_2 step %scan3A_3  : i32 {
      %mul3A_12 = arith.constant 16 : i32
      %mul3A_13 = arith.muli %scan3A_11, %mul3A_12 : i32
      %add3A_14 = arith.constant 0 : i32
      %add3A_15 = arith.addi %add3A_14, %mul3A_13 : i32
      %broadcast_in_dim3A_16 = arith.constant 0.000000e+00 : f32
      %broadcast_in_dim3A_17 = vector.broadcast %broadcast_in_dim3A_16 : f32 to vector<16xf32>
      %swap3A = arith.index_cast %add3A_15 : i32 to index
      %swap3A_18 = tpu.vector_load %arg5[%swap3A] {strides = array<i32>} : memref<10240xf32, #tpu.memory_space<vmem>>, vector<16xf32>,
      tpu.vector_store %arg5[%swap3A], %broadcast_in_dim3A_17 {strides = array<i32>} : memref<10240xf32, #tpu.memory_space<vmem>>, vector<16xf32>,
    }
    %scan3A_4 = arith.constant 640 : i32
    "tpu.region"() ({
      %run_scoped3A = tpu.sem_alloc : memref<!tpu.dma_semaphore, #tpu.memory_space<semaphore_mem>>
      %dma_start3A = arith.constant 0 : i32
      %dma_start3A_11 = tpu.memref_slice %arg2[%add3A, %dma_start3A] : memref<32x5008xi32, #tpu.memory_space<hbm>> -> memref<1x5008xi32, #tpu.memory_space<hbm>>
      %dma_start3A_12 = tpu.memref_squeeze %dma_start3A_11 : memref<1x5008xi32, #tpu.memory_space<hbm>> -> memref<5008xi32, #tpu.memory_space<hbm>>
      %dma_start3A_13 = arith.constant 0 : i32
      %dma_start3A_14 = tpu.memref_slice %arg2[%add3A, %dma_start3A_13] : memref<32x5008xi32, #tpu.memory_space<hbm>> -> memref<1x5008xi32, #tpu.memory_space<hbm>>
      %dma_start3A_15 = tpu.memref_squeeze %dma_start3A_14 : memref<1x5008xi32, #tpu.memory_space<hbm>> -> memref<5008xi32, #tpu.memory_space<hbm>>
      tpu.enqueue_dma source(%dma_start3A_15 : memref<5008xi32, #tpu.memory_space<hbm>>) target(%arg4 : memref<5008xi32, #tpu.memory_space<vmem>>) target_semaphore(%run_scoped3A : memref<!tpu.dma_semaphore, #tpu.memory_space<semaphore_mem>>)
      %dma_wait3A = arith.constant 0 : i32
      %dma_wait3A_16 = tpu.memref_slice %arg2[%add3A, %dma_wait3A] : memref<32x5008xi32, #tpu.memory_space<hbm>> -> memref<1x5008xi32, #tpu.memory_space<hbm>>
      %dma_wait3A_17 = tpu.memref_squeeze %dma_wait3A_16 : memref<1x5008xi32, #tpu.memory_space<hbm>> -> memref<5008xi32, #tpu.memory_space<hbm>>
      %dma_wait3A_18 = arith.constant 0 : i32
      %dma_wait3A_19 = tpu.memref_slice %arg2[%add3A, %dma_wait3A_18] : memref<32x5008xi32, #tpu.memory_space<hbm>> -> memref<1x5008xi32, #tpu.memory_space<hbm>>
      %dma_wait3A_20 = tpu.memref_squeeze %dma_wait3A_19 : memref<1x5008xi32, #tpu.memory_space<hbm>> -> memref<5008xi32, #tpu.memory_space<hbm>>
      tpu.wait_dma2 semaphore(%run_scoped3A : memref<!tpu.dma_semaphore, #tpu.memory_space<semaphore_mem>>) src(%dma_wait3A_20 : memref<5008xi32, #tpu.memory_space<hbm>>) dst(%arg4 : memref<5008xi32, #tpu.memory_space<vmem>>)
      tpu.yield
    }) : () -> ()
    %broadcast_in_dim3A = arith.constant 1.000000e+00 : f32
    %broadcast_in_dim3A_5 = vector.broadcast %broadcast_in_dim3A : f32 to vector<16xf32>
    %scan3A_6 = arith.constant 0 : i32
    %scan3A_7 = arith.constant 313 : i32
    %scan3A_8 = arith.addi %scan3A_6, %scan3A_7 : i32
    %scan3A_9 = arith.constant 1 : i32
    scf.for %scan3A_11 = %scan3A_6 to %scan3A_8 step %scan3A_9  : i32 {
      %mul3A_12 = arith.constant 16 : i32
      %mul3A_13 = arith.muli %scan3A_11, %mul3A_12 : i32
      %add3A_14 = arith.constant 0 : i32
      %add3A_15 = arith.addi %add3A_14, %mul3A_13 : i32
      %get3A = arith.index_cast %add3A_15 : i32 to index
      %get3A_16 = tpu.vector_load %arg4[%get3A] {strides = array<i32>} : memref<5008xi32, #tpu.memory_space<vmem>>, vector<16xi32>,
      tpu.vector_store_idx %arg5[%get3A_16], %broadcast_in_dim3A_5 {add = true} : memref<10240xf32, #tpu.memory_space<vmem>>[vector<16xi32>], vector<16xf32>,
    }
    %scan3A_10 = arith.constant 313 : i32
    "tpu.region"() ({
      %run_scoped3A = tpu.sem_alloc : memref<!tpu.dma_semaphore, #tpu.memory_space<semaphore_mem>>
      %dma_start3A = arith.constant 0 : i32
      %dma_start3A_11 = tpu.memref_slice %arg3[%add3A, %dma_start3A] : memref<32x10240xf32, #tpu.memory_space<hbm>> -> memref<1x10240xf32, #tpu.memory_space<hbm>>
      %dma_start3A_12 = tpu.memref_squeeze %dma_start3A_11 : memref<1x10240xf32, #tpu.memory_space<hbm>> -> memref<10240xf32, #tpu.memory_space<hbm>>
      %dma_start3A_13 = arith.constant 0 : i32
      %dma_start3A_14 = tpu.memref_slice %arg3[%add3A, %dma_start3A_13] : memref<32x10240xf32, #tpu.memory_space<hbm>> -> memref<1x10240xf32, #tpu.memory_space<hbm>>
      %dma_start3A_15 = tpu.memref_squeeze %dma_start3A_14 : memref<1x10240xf32, #tpu.memory_space<hbm>> -> memref<10240xf32, #tpu.memory_space<hbm>>
      tpu.enqueue_dma source(%arg5 : memref<10240xf32, #tpu.memory_space<vmem>>) target(%dma_start3A_15 : memref<10240xf32, #tpu.memory_space<hbm>>) target_semaphore(%run_scoped3A : memref<!tpu.dma_semaphore, #tpu.memory_space<semaphore_mem>>)
      %dma_wait3A = arith.constant 0 : i32
      %dma_wait3A_16 = tpu.memref_slice %arg3[%add3A, %dma_wait3A] : memref<32x10240xf32, #tpu.memory_space<hbm>> -> memref<1x10240xf32, #tpu.memory_space<hbm>>
      %dma_wait3A_17 = tpu.memref_squeeze %dma_wait3A_16 : memref<1x10240xf32, #tpu.memory_space<hbm>> -> memref<10240xf32, #tpu.memory_space<hbm>>
      %dma_wait3A_18 = arith.constant 0 : i32
      %dma_wait3A_19 = tpu.memref_slice %arg3[%add3A, %dma_wait3A_18] : memref<32x10240xf32, #tpu.memory_space<hbm>> -> memref<1x10240xf32, #tpu.memory_space<hbm>>
      %dma_wait3A_20 = tpu.memref_squeeze %dma_wait3A_19 : memref<1x10240xf32, #tpu.memory_space<hbm>> -> memref<10240xf32, #tpu.memory_space<hbm>>
      tpu.wait_dma2 semaphore(%run_scoped3A : memref<!tpu.dma_semaphore, #tpu.memory_space<semaphore_mem>>) src(%arg5 : memref<10240xf32, #tpu.memory_space<vmem>>) dst(%dma_wait3A_20 : memref<10240xf32, #tpu.memory_space<hbm>>)
      tpu.yield
    }) : () -> ()
    return
  }
}

</mosaic_0001>

<sc_bundles>
// kernel: _sc_degree.3.cloned.1.call-start
scs
__scs_entry_jumppad:
0x0: {  	(pc) =	sbr.rel $0x88, $3  }
0x1: {  	(tag) =	ssettag $0x0;
	lr =	simm.s32 $0x1  }
0x2: {  	[smem:$0x3FA0] =	sst lr;
	_ =	strace $0xD0000000  }
0x3: {  	_ = 	snop  }
0x4: {  	_ = 	snop  }
0x5: {  	_ = 	snop  }
0x6: {  	_ = 	snop  }
0x7: {  	_ = 	snop  }
__scs_overlays_trampoline_lowered:
0x8: {  	[smem:$0x3FAF] =	sst s0  }
0x9: {  	[smem:$0x3FB0] =	sst s1  }
0xa: {  	[smem:$0x3FB1] =	sst s2  }
0xb: {  	[smem:$0x3FB2] =	sst s3  }
0xc: {  	[smem:$0x3FB3] =	sst s4  }
0xd: {  	[smem:$0x3FB4] =	sst s5  }
0xe: {  	[smem:$0x3FB5] =	sst s6  }
0xf: {  	[smem:$0x3FB6] =	sst s7  }
0x10: {  	[smem:$0x3FB7] =	sst s8  }
0x11: {  	[smem:$0x3FB8] =	sst s9;
	s0 =	simm.s32 @!p0 $0x0  }
0x12: {  	s1 =	sld [smem:$0x3F9E];
	s0 =	simm.s32 @p0 $0x1  }
0x13: {  	[smem:$0x3FB9] =	sst s0;
	s0 =	simm.s32 @!p1 $0x0  }
0x14: {  	s2 =	sld [smem:$0x3F9D];
	s0 =	simm.s32 @p1 $0x1  }
0x15: {  	[smem:$0x3FBA] =	sst s0;
	s0 =	simm.s32 @!p2 $0x0  }
0x16: {  	s3 =	sld [smem:$0x3FDB];
	s0 =	simm.s32 @p2 $0x1  }
0x17: {  	s4 =	simm.s32 $0x1BF5;
	[smem:$0x3FBC] =	sst s0  }
0x18: {  	s0 =	sld [smem:$0x3F9F];
	_ =	swait.ge [sflag:s4], $0x0  }
0x19: {  	s7 =	sld [smem:$0x3FA0]  }
0x1a: {  	s8 =	sadd.s32 $0xFFFFE003, lr  }
0x1b: {  	s9 =	sadd.s32 $0xFFFFFEF7, lr;
	s5 =	simm.s32 $0xFFFFFFFF;
	p2 =	slt.u32 s8, $0xFFFFF086  }
0x1c: {  	p1 =	slt.u32 s9, $0xF7A;
	s5 =	simm.s32 @!p2 $0x0  }
0x1d: {  	s5 =	simm.s32 @p1 $0x1;
	p0 =	seq.s32 s7, s2  }
0x1e: {  	s7 =	smul.u32 @!p0 $0xF7A, s2;
	p2 =	seq.s32 @!p0 s5, $0x0  }
0x1f: {  	s9 =	smul.u32 $0xF7A, s1;
	s8 =	simm.s32 @!p0 $0x1BF5;
	p2 =	por !p2, p0  }
0x20: {  	[sflag:s8] =	ssyncset.s32 @!p0 $0xFFFFF086;
	s6 =	sadd.s32 @!p0 s3, s7;
	s7 =	simm.s32 @!p0 $0x108  }
0x21: {  	s3 =	sadd.s32 s3, s9;
	s6 =	sadd.s32 @!p0 $0x88, s6;
	s7 =	simm.s32 @p2 $0x1082  }
0x22: {  	[simem:s7], [sflag:s8] =	dma.local @!p0 [hbm:s6], $0xF7A  }
0x23: {  	s9 =	sor.u32 $0xD0000000, s2;
	s6 =	simm.s32 $0x108;
	_ =	swait.ge @!p0 [sflag:s8], $0x0  }
0x24: {  	s3 =	sadd.s32 $0x88, s3;
	s6 =	simm.s32 @!p1 $0x1082;
	[sflag:s4] =	ssyncset.s32 $0xFFFFF086  }
0x25: {  	[simem:s6], [sflag:s4] =	dma.local [hbm:s3], $0xF7A  }
0x26: {  	[smem:$0x3FA0] =	sst s1;
	(tag) =	ssettag s2;
	_ =	strace s9  }
0x27: {  	s1 =	sld [smem:$0x3FB0]  }
0x28: {  	s2 =	sld [smem:$0x3FB1]  }
0x29: {  	s4 =	sld [smem:$0x3FB3]  }
0x2a: {  	p0 =	seq.s32 s5, $0x0;
	s5 =	sld [smem:$0x3FB4]  }
0x2b: {  	s6 =	sld [smem:$0x3FB5]  }
0x2c: {  	s7 =	sld [smem:$0x3FB6]  }
0x2d: {  	s3 =	simm.s32 $0x108;
	s8 =	sld [smem:$0x3FB7]  }
0x2e: {  	s3 =	simm.s32 @!p0 $0x1082;
	s9 =	sld [smem:$0x3FB8]  }
0x2f: {  	lr =	sadd.s32 s0, s3;
	s0 =	sld [smem:$0x3FAF]  }
0x30: {  	s3 =	sld [smem:$0x3FB2]  }
0x31: {  	[smem:$0x3FBB] =	sst s10  }
0x32: {  	s10 =	sld [smem:$0x3FB9];
	_ =	sdelay $0x3  }
0x33: {  	p0 =	seq.s32 s10, $0x1;
	s10 =	sld [smem:$0x3FBB];
	_ =	sdelay $0x3  }
0x34: {  	[smem:$0x3FBB] =	sst s10  }
0x35: {  	s10 =	sld [smem:$0x3FBA];
	_ =	sdelay $0x3  }
0x36: {  	p1 =	seq.s32 s10, $0x1;
	s10 =	sld [smem:$0x3FBB];
	_ =	sdelay $0x3  }
0x37: {  	[smem:$0x3FBB] =	sst s10  }
0x38: {  	s10 =	sld [smem:$0x3FBC]  }
0x39: {  	_ = 	snop;
	(pc) =	sbr.ind lr, $3  }
0x3a: {  	_ = 	snop  }
0x3b: {  	_ = 	snop  }
0x3c: {  	p2 =	seq.s32 s10, $0x1;
	s10 =	sld [smem:$0x3FBB]  }
0x3d: {  	_ =	shalt  }
0x3e: {  	_ =	shalt  }
0x3f: {  	_ =	shalt  }
0x40: {  	_ =	shalt  }
0x41: {  	_ =	shalt  }
0x42: {  	_ =	shalt  }
0x43: {  	_ =	shalt  }
0x44: {  	_ =	shalt  }
0x45: {  	_ =	shalt  }
0x46: {  	_ =	shalt  }
0x47: {  	_ =	shalt  }
0x48: {  	_ =	shalt  }
0x49: {  	_ =	shalt  }
0x4a: {  	_ =	shalt  }
0x4b: {  	_ =	shalt  }
0x4c: {  	_ =	shalt  }
0x4d: {  	_ =	shalt  }
0x4e: {  	_ =	shalt  }
0x4f: {  	_ =	shalt  }
0x50: {  	_ =	shalt  }
0x51: {  	_ =	shalt  }
0x52: {  	_ =	shalt  }
0x53: {  	_ =	shalt  }
0x54: {  	_ =	shalt  }
0x55: {  	_ =	shalt  }
0x56: {  	_ =	shalt  }
0x57: {  	_ =	shalt  }
0x58: {  	_ =	shalt  }
0x59: {  	_ =	shalt  }
0x5a: {  	_ =	shalt  }
0x5b: {  	_ =	shalt  }
0x5c: {  	_ =	shalt  }
0x5d: {  	_ =	shalt  }
0x5e: {  	_ =	shalt  }
0x5f: {  	_ =	shalt  }
0x60: {  	_ =	shalt  }
0x61: {  	_ =	shalt  }
0x62: {  	_ =	shalt  }
0x63: {  	_ =	shalt  }
0x64: {  	_ =	shalt  }
0x65: {  	_ =	shalt  }
0x66: {  	_ =	shalt  }
0x67: {  	_ =	shalt  }
0x68: {  	_ =	shalt  }
0x69: {  	_ =	shalt  }
0x6a: {  	_ =	shalt  }
0x6b: {  	_ =	shalt  }
0x6c: {  	_ =	shalt  }
0x6d: {  	_ =	shalt  }
0x6e: {  	_ =	shalt  }
0x6f: {  	_ =	shalt  }
0x70: {  	_ =	shalt  }
0x71: {  	_ =	shalt  }
0x72: {  	_ =	shalt  }
0x73: {  	_ =	shalt  }
0x74: {  	_ =	shalt  }
0x75: {  	_ =	shalt  }
0x76: {  	_ =	shalt  }
0x77: {  	_ =	shalt  }
0x78: {  	_ =	shalt  }
0x79: {  	_ =	shalt  }
0x7a: {  	_ =	shalt  }
0x7b: {  	_ =	shalt  }
0x7c: {  	_ =	shalt  }
0x7d: {  	_ =	shalt  }
0x7e: {  	_ =	shalt  }
0x7f: {  	_ =	shalt  }
0x80: {  	_ =	shalt  }
0x81: {  	_ =	shalt  }
0x82: {  	_ =	shalt  }
0x83: {  	_ =	shalt  }
0x84: {  	_ =	shalt  }
0x85: {  	_ =	shalt  }
0x86: {  	_ =	shalt  }
0x87: {  	_ =	shalt  }
.Lfunc_end0:
.L_simem_size_0:
called_computation_lowered:
.L_overlay_start_0:
0x88: {  	s2 =	sld [smem:$0x3FD9]  }
0x89: {  	s3 =	sld [smem:$0x3FFE];
	_ =	sdelay $0x1  }
0x8a: {  	s1 =	srdreg.scid  }
0x8b: {  	s0 =	sand.u32 $0x1, s1  }
0x8c: {  	s18 =	sshll.u32 s0, $0xA;
	s2 =	sadd.s32 s3, s2  }
0x8d: {  	s2 =	sadd.s32 s2, s18  }
0x8e: {  	[smem:$0x3FC7] =	sst s2  }
0x8f: {  	_ = 	snop  }
0x90: {  	s2 =	sld [smem:$0x3FC9]  }
0x91: {  	s19 =	sld [smem:$0x3FD0];
	(tm) =	ssettm $0x1  }
0x92: {  	s4 =	sld [smem:$0x3FFB];
	_ =	sdelay $0x3  }
0x93: {  	_ =	strace s4  }
0x94: {  	s4 =	sld [smem:$0x3FFC];
	_ =	sdelay $0x3  }
0x95: {  	_ =	strace s4  }
0x96: {  	s4 =	sld [smem:$0x3FFD];
	_ =	sdelay $0x3  }
0x97: {  	_ =	strace s4  }
0x98: {  	_ =	strace $0x8FFFFFFF  }
0x99: {  	s20 =	sld [smem:$0x3FDB];
	_ =	sdelay $0x1  }
0x9a: {  	s5 =	simm.s32 $_scs_section_size  }
0x9b: {  	s6 =	simm.s32 $_size__tile_overlayer_lowered;
	s7 =	simm.s32 $_tile_overlayer_lowered  }
0x9c: {  	s23 =	simm.s32 $0x1BFF;
	s22 =	sshll.u32 s7, $0x1;
	s4 =	sadd.s32 s5, s20  }
0x9d: {  	s8 =	simm.s32 $0x0;
	s21 =	sshll.u32 s6, $0x1;
	s6 =	sadd.s32 s22, s4  }
0x9e: {  	[timem:s8], [sflag:s23] =	dma.local [hbm:s6], s21  }
0x9f: {  	_ =	swait.ge [sflag:s23], s21  }
0xa0: {  	s5 =	ssub.s32 $0x0, s21;
	[sflag:s23] =	ssyncset.done $0x0  }
0xa1: {  	[sflag:s23] =	ssyncadd.s32 s5;
	_ =	sdelay $0x1  }
0xa2: {  	s24 =	simm.s32 $0x1B8B  }
0xa3: {  	_ =	swait.ge [sflag:s24], $0x1  }
0xa4: {  	[sflag:s24] =	ssyncset.done $0x0  }
0xa5: {  	s25 =	simm.s32 $0x1B8E;
	[sflag:s24] =	ssyncadd.s32 $0xFFFFFFFF  }
0xa6: {  	s26 =	simm.s32 $execute0_lowered;
	[smem:$0x3FD2] =	sst s25  }
0xa7: {  	s5 =	sshll.u32 s26, $0x1;
	_ =	strace $0x80000046;
	[dreg:$0x1] =	wrdreg $0xFFFFFFFF  }
0xa8: {  	s28 =	simm.s32 $_size_execute0_lowered;
	s4 =	sadd.s32 s4, s5;
	[dreg:$0x0] =	wrdreg $0x0  }
0xa9: {  	s5 =	sshll.u32 s28, $0x1;
	[dreg:$0x2] =	wrdreg s4  }
0xaa: {  	[dreg:$0x3] =	wrdreg s5  }
0xab: {  	[dreg:$0x4] =	wrdreg $0xC0  }
0xac: {  	_ =	task [dreg:s8], $0x5FFFF  }
0xad: {  	[dreg:$0x1] =	wrdreg $0xFFFFFFFF  }
0xae: {  	[dreg:$0x0] =	wrdreg $0x60  }
0xaf: {  	[dreg:$0x2] =	wrdreg s2  }
0xb0: {  	[dreg:$0x3] =	wrdreg s19  }
0xb1: {  	[dreg:$0x4] =	wrdreg $0x9  }
0xb2: {  	_ =	task.clear_ibuf [dreg:s8], $0x5FFFF;
	_ =	strace $0x90000046  }
0xb3: {  	s29 =	simm.s32 $0x9;
	_ =	strace $0x80000048  }
0xb4: {  	_ =	swait.ge [sflag:s29], $0x1  }
0xb5: {  	[sflag:s29] =	ssyncadd.s32 $0xFFFFFFFF  }
0xb6: {  	_ =	strace $0x90000048  }
0xb7: {  	_ =	sfence  }
0xb8: {  	s30 =	sld [smem:$0x0];
	_ =	sdelay $0x2  }
0xb9: {  	s31 =	sshll.u32 s1, $0xD;
	s1 =	sshrl.u32 s1, $0x2  }
0xba: {  	s3 =	sand.u32 $0x4000, s31;
	s1 =	sadd.s32 s1, s30  }
0xbb: {  	s0 =	sor.u32 s3, s0;
	s1 =	sshll.u32 s1, $0x11  }
0xbc: {  	s0 =	sor.u32 s1, s0  }
0xbd: {  	s0 =	sadd.s32 $0x8F2B, s0  }
0xbe: {  	[sflag:s0] =	ssyncadd.remote.s32 $0x1  }
0xbf: {  	_ =	sfence.sel $0xFFFF  }
0xc0: {  	[dreg:$0x0] =	wrdreg $0xFFFFFFFF;
	(pc) =	sbr.abs _section_cstart, $3  }
0xc1: {  	[dreg:$0x1] =	wrdreg $0xFFFFFFFF  }
0xc2: {  	_ =	task.clear_ibuf [dreg:s8], $0x2FFFF;
	_ =	strace $0x9FFFFFFF  }
0xc3: {  	(tm) =	ssettm $0x7FFFFFFF  }
tec
execute0_lowered:
.L_overlay_start_1:
0x0: {  	(tag) =	ssettag $0x1  }
0x1: {  	s3 =	rddreg [dreg:$0x0]  }
0x2: {  	s4 =	rddreg [dreg:$0x1]  }
0x3: {  	s0 =	rddreg [dreg:$0x2]  }
0x4: {  	s2 =	simm.s32 $0x0;
	s5 =	srdreg.scid;
	s1 =	stileid.u32  }
0x5: {  	s5 =	sand.u32 $0x1, s5;
	s6 =	sshrl.u32 s1, $0x2;
	s7 =	sshll.u32 s1, $0x8  }
0x6: {  	[smem:$0x7FF] =	sst s2;
	s8 =	sshll.u32 s5, $0x7;
	s9 =	smul.u32 $0xA000, s6  }
0x7: {  	s7 =	sand.u32 $0x300, s7;
	s6 =	smul.u32 $0x14000, s6;
	s5 =	ssub.s32 $0x2, s5  }
0x8: {  	_ =	strace $0x80000047;
	s7 =	sor.u32 s8, s7;
	s31 =	sshrl.u32 s5, $0x1  }
0x9: {  	s8 =	sor.u32 s9, s7;
	s6 =	sor.u32 s6, s7;
	s5 =	ssub.s32 s5, s31  }
0xa: {  	s7 =	simm.s32 $0x400;
	s9 =	simm.s32 $0x1400;
	s8 =	sshrl.u32 s8, $0x3  }
0xb: {  	s6 =	sshrl.u32 s6, $0x3;
	s5 =	smax.u32 s5, $0x1;
	s3 =	sadd.s32 s3, s8  }
0xc: {  	v0 =	vimm.f32 $0.0e+00;
	v1 =	vimm.f32 $1.000000000e+00;
	s4 =	sadd.s32 s4, s6;
	s6 =	simm.s32 $0x80;
	s8 =	simm.s32 $0x1  }
.LBB2_1:
0xd: {  	s10 =	simm.s32 $0x40;
	s11 =	simm.s32 $0x0  }
.LBB2_2:
0xe: {  	p0 =	sne.s32 s10, $0x9FC0;
	[tilespmem:s11+$0x1400] =	vst v0;
	s11 =	smov.u32 s10;
	s10 =	sadd.s32 $0x40, s10  }
.Ltmp0:
0xf: {  	(pc) =	sbr.rel @p0 .LBB2_2-.Ltmp0, $2  }
0x10: {  	_ =	sdelay $0x2  }
0x11: {  	s11 =	sshra.s32 s11, $0x2  }
0x12: {  	[tilespmem:s11+$0x1400] =	vst v0;
	s10 =	simm.s32 $0x0  }
0x13: {  	[tilespmem:s10], [sflag:$0x1] =	stream.strided.gather [hbm4b:s3+s6], $0x1400, s7, s6, $0x38;
	[tilespmem:$0x3C00] =	vst v63  }
0x14: {  	_ =	swait.ge [sflag:s8], $0x1400  }
0x15: {  	[sflag:s8] =	ssyncset.done $0x0  }
0x16: {  	s11 =	simm.s32 $0x0;
	s10 =	simm.s32 $0x40;
	[sflag:s8] =	ssyncadd.s32 $0xFFFFEC00  }
.LBB2_4:
0x17: {  	p0 =	sne.s32 s10, $0x4E00;
	v2 =	vld [tilespmem:s11+$0x0];
	_ =	sdelay $0x3  }
.Ltmp1:
0x18: {  	(pc) =	sbr.rel @p0 .LBB2_4-.Ltmp1, $2  }
0x19: {  	_ =	sdelay $0x2  }
0x1a: {  	s11 =	sshra.s32 s10, $0x2;
	s10 =	sadd.s32 $0x40, s10;
	[tilespmem:v2+s9+$0x0] =	vst.idx.add.f32.msk $0xffff, v1  }
0x1b: {  	v2 =	vld [tilespmem:s11+$0x0];
	_ =	sdelay $0x5  }
0x1c: {  	s2 =	sadd.s32 $0x1, s2  }
0x1d: {  	p0 =	sne.s32 s2, s5  }
.Ltmp2:
0x1e: {  	[tilespmem:v2+s9+$0x0] =	vst.idx.add.f32.msk $0xffff, v1;
	(pc) =	sbr.rel @p0 .LBB2_1-.Ltmp2, $4  }
0x1f: {  	[hbm4b:s4+s6] =	stream.strided.scatter [tilespmem:s9], [sflag:$0x1], $0x2800, s7, s6, $0x38;
	[tilespmem:$0x3C00] =	vst v63  }
0x20: {  	_ =	swait.ge [sflag:s8], $0x2800  }
0x21: {  	[sflag:s8] =	ssyncset.done $0x0  }
0x22: {  	[sflag:s8] =	ssyncadd.s32 $0xFFFFD800  }
0x23: {  	_ =	sfence.sel $0x180000  }
0x24: {  	[bflag:$0x0] =	sbarrier.arrive $0xFFFF  }
0x25: {  	p0 =	sne.s32 s1, $0x0;
	_ =	strace $0x90000047  }
0x26: {  	s0 =	sadd.s32 @!p0 $0x100000, s0;
	[bflag:$0x2] =	sbarrier.arrive $0xFFFF  }
0x27: {  	[sflag:s0] =	ssyncadd.tile.s32 @!p0 $0x1;
	_ =	shalt  }
.Lfunc_end2:
_tile_overlayer_lowered:
.L_overlay_start_2:
0x28: {  	(tag) =	ssettag $0x2  }
0x29: {  	s0 =	rddreg [dreg:$0x0];
	s2 =	stileid.u32  }
0x2a: {  	s1 =	rddreg [dreg:$0x1];
	p0 =	sne.s32 s2, $0x0  }
0x2b: {  	s3 =	rddreg [dreg:$0x2];
	[bflag:$0x3] =	sbarrier.arrive $0xFFFF;
	s2 =	simm.s32 @!p0 $0x1C01  }
0x2c: {  	[timem:s3], [sflag:s2] =	dma.local @!p0 [hbm:s0], s1  }
0x2d: {  	s0 =	simm.s32 @!p0 $0x1  }
0x2e: {  	_ =	swait.ge @!p0 [sflag:s0], s1  }
0x2f: {  	s1 =	ssub.s32 @!p0 $0x0, s1;
	[sflag:s0] =	ssyncset.done @!p0 $0x0  }
0x30: {  	[sflag:s0] =	ssyncadd.s32 @!p0 s1  }
0x31: {  	[bflag:$0x3] =	sbarrier.arrive $0xFFFF  }
0x32: {  	_ =	shalt  }

</sc_bundles>
